<compile_context>
chip_gen: v7x
topology: tpu7x:2x2x1
jax: 0.10.2.dev20260603
libtpu: 0.0.44.dev20260713+nightly
codegen_flags: <defaults>
</compile_context>

<pallas_src>
import functools
import math

import numpy as np
import jax
import jax.numpy as jnp
from jax import lax
from jax.experimental import pallas as pl
from jax.experimental.pallas import tpu as pltpu
from jax.experimental.pallas import tpu_sc as plsc

_NC = 2
_NS = 16
_LANES = 16
_NBUF = 4


def kernel(token_ids, lengths, token_table, length_table):
    B, S = token_ids.shape
    _, D = token_table.shape

    NW = _NC * _NS
    BW = B // NW

    mesh = plsc.VectorSubcoreMesh(
        core_axis_name="c", subcore_axis_name="s",
        num_cores=_NC, num_subcores=_NS,
    )

    @functools.partial(
        pl.kernel,
        out_type=jax.ShapeDtypeStruct((B, S, D), jnp.float32),
        mesh=mesh,
        scratch_types=[
            [pltpu.VMEM((S, D), jnp.float32) for _ in range(_NBUF)],
            [pltpu.SemaphoreType.DMA for _ in range(_NBUF)],
        ],
    )
    def run(ids_hbm, len_hbm, tab_hbm, ltab_hbm, out_hbm, bufs, osems):
        wid = lax.axis_index("s") * _NC + lax.axis_index("c")
        base = wid * BW

        for k in range(_NBUF):
            pltpu.sync_copy(tab_hbm.at[pl.ds(k * S, S)], bufs[k])

        pltpu.async_copy(bufs[0], out_hbm.at[base + 0], osems[0])
        pltpu.async_copy(bufs[1], out_hbm.at[base + 1], osems[1])

        @pl.loop(0, BW // _NBUF)
        def _outer(jj):
            for b in range(_NBUF):
                j = jj * _NBUF + b
                k = b
                kn = (b + 2) % _NBUF

                pltpu.make_async_copy(
                    bufs[k], out_hbm.at[base + j], osems[k]).wait()

                @pl.when(j + 2 < BW)
                def _():
                    pltpu.async_copy(
                        bufs[kn], out_hbm.at[base + j + 2], osems[kn])

    return run(token_ids, lengths, token_table, length_table)

# --- scband reference (transcript-rebuilt; emitter-appended) ---
"""Pipeline reference for scband-language-embedding-37203006718593 (READ-ONLY COPY).

The authoritative reference and input builder live on the scoring server;
editing this copy changes nothing except your own understanding.
"""

import jax, jax.numpy as jnp
import numpy as np
import math

MAX_LEN = 128
D_MODEL = 128
VOCAB = 100000
BATCH = 4096
SEQ = 128

def _pe(max_len, d_model):
    position = np.arange(max_len, dtype=np.float32)[:, None]
    div_term = np.exp(np.arange(0, d_model, 2).astype(np.float32) * (-math.log(10000.0) / d_model))
    pe = np.zeros((max_len, d_model), dtype=np.float32)
    pe[:, 0::2] = np.sin(position * div_term)
    pe[:, 1::2] = np.cos(position * div_term)
    return jnp.asarray(pe)

def setup_inputs(seed: int = 0):
    key = jax.random.key(seed)
    k1, k2, k3, k4 = jax.random.split(key, 4)
    token_ids = jax.random.randint(k1, (BATCH, SEQ), 0, VOCAB, dtype=jnp.int32)
    lengths = jax.random.randint(k2, (BATCH,), 0, MAX_LEN + 1, dtype=jnp.int32)
    token_table = jax.random.normal(k3, (VOCAB, D_MODEL), dtype=jnp.float32)
    length_table = jax.random.normal(k4, (MAX_LEN + 1, D_MODEL), dtype=jnp.float32)
    return {"token_ids": token_ids, "lengths": lengths, "token_table": token_table, "length_table": length_table}

def reference(token_ids, lengths, token_table, length_table):
    d_model = token_table.shape[1]
    scale = math.sqrt(d_model)
    # token embedding gather + scale
    x = jnp.take(token_table, token_ids, axis=0) * scale
    # sinusoidal positional encoding (dropout p=0.0 -> identity)
    pe = _pe(MAX_LEN, d_model)
    x = x + pe[None, :x.shape[1], :]
    # length embedding gather, broadcast over seq dim
    len_emb = jnp.take(length_table, lengths, axis=0)
    x = x + len_emb[:, None, :]
    return x

if __name__ == "__main__":
    import jax
    _d = setup_inputs()
    print(jax.jit(kernel)(*tuple(_d.values())))

</pallas_src>

<mosaic_0001>
#map = affine_map<(d0, d1) -> (0, 0)>
#map1 = affine_map<(d0, d1) -> (0)>
#map2 = affine_map<(d0, d1) -> (0, 0, 0)>
module attributes {stable_mosaic.version = 14 : i64} {
  func.func @run(%arg0: i32, %arg1: i32, %arg2: memref<4096x128xi32, #tpu.memory_space<hbm>>, %arg3: memref<4096xi32, #tpu.memory_space<hbm>>, %arg4: memref<100000x128xf32, #tpu.memory_space<hbm>>, %arg5: memref<129x128xf32, #tpu.memory_space<hbm>>, %arg6: memref<4096x128x128xf32, #tpu.memory_space<hbm>>, %arg7: memref<128x128xf32, #tpu.memory_space<vmem>>, %arg8: memref<128x128xf32, #tpu.memory_space<vmem>>, %arg9: memref<128x128xf32, #tpu.memory_space<vmem>>, %arg10: memref<128x128xf32, #tpu.memory_space<vmem>>, %arg11: memref<!tpu.dma_semaphore, #tpu.memory_space<semaphore_mem>>, %arg12: memref<!tpu.dma_semaphore, #tpu.memory_space<semaphore_mem>>, %arg13: memref<!tpu.dma_semaphore, #tpu.memory_space<semaphore_mem>>, %arg14: memref<!tpu.dma_semaphore, #tpu.memory_space<semaphore_mem>>) attributes {dimension_semantics = [#tpu.dimension_semantics<core_parallel>, #tpu.dimension_semantics<subcore_parallel>], iteration_bounds = array<i64: 2, 16>, scalar_prefetch = 0 : i64, scratch_operands = 8 : i64, tpu.core_type = #tpu.core_type<sc_vector_subcore>, window_params = [{transform_indices = #map}, {transform_indices = #map1}, {transform_indices = #map}, {transform_indices = #map}, {transform_indices = #map2}]} {
    %mul3A = arith.constant 2 : i32
    %mul3A_0 = arith.muli %arg1, %mul3A : i32
    %add3A = arith.addi %mul3A_0, %arg0 : i32
    %mul3A_1 = arith.constant 128 : i32
    %mul3A_2 = arith.muli %add3A, %mul3A_1 : i32
    "tpu.region"() ({
      %run_scoped3A = tpu.sem_alloc : memref<!tpu.dma_semaphore, #tpu.memory_space<semaphore_mem>>
      %dma_start3A_26 = arith.constant 0 : i32
      %dma_start3A_27 = arith.constant 0 : i32
      %dma_start3A_28 = tpu.memref_slice %arg4[%dma_start3A_26, %dma_start3A_27] : memref<100000x128xf32, #tpu.memory_space<hbm>> -> memref<128x128xf32, #tpu.memory_space<hbm>>
      %dma_start3A_29 = arith.constant 0 : i32
      %dma_start3A_30 = arith.constant 0 : i32
      %dma_start3A_31 = tpu.memref_slice %arg4[%dma_start3A_29, %dma_start3A_30] : memref<100000x128xf32, #tpu.memory_space<hbm>> -> memref<128x128xf32, #tpu.memory_space<hbm>>
      tpu.enqueue_dma source(%dma_start3A_31 : memref<128x128xf32, #tpu.memory_space<hbm>>) target(%arg7 : memref<128x128xf32, #tpu.memory_space<vmem>>) target_semaphore(%run_scoped3A : memref<!tpu.dma_semaphore, #tpu.memory_space<semaphore_mem>>)
      %dma_wait3A = arith.constant 0 : i32
      %dma_wait3A_32 = arith.constant 0 : i32
      %dma_wait3A_33 = tpu.memref_slice %arg4[%dma_wait3A, %dma_wait3A_32] : memref<100000x128xf32, #tpu.memory_space<hbm>> -> memref<128x128xf32, #tpu.memory_space<hbm>>
      %dma_wait3A_34 = arith.constant 0 : i32
      %dma_wait3A_35 = arith.constant 0 : i32
      %dma_wait3A_36 = tpu.memref_slice %arg4[%dma_wait3A_34, %dma_wait3A_35] : memref<100000x128xf32, #tpu.memory_space<hbm>> -> memref<128x128xf32, #tpu.memory_space<hbm>>
      tpu.wait_dma2 semaphore(%run_scoped3A : memref<!tpu.dma_semaphore, #tpu.memory_space<semaphore_mem>>) src(%dma_wait3A_36 : memref<128x128xf32, #tpu.memory_space<hbm>>) dst(%arg7 : memref<128x128xf32, #tpu.memory_space<vmem>>)
      tpu.yield
    }) : () -> ()
    "tpu.region"() ({
      %run_scoped3A = tpu.sem_alloc : memref<!tpu.dma_semaphore, #tpu.memory_space<semaphore_mem>>
      %dma_start3A_26 = arith.constant 128 : i32
      %dma_start3A_27 = arith.constant 0 : i32
      %dma_start3A_28 = tpu.memref_slice %arg4[%dma_start3A_26, %dma_start3A_27] : memref<100000x128xf32, #tpu.memory_space<hbm>> -> memref<128x128xf32, #tpu.memory_space<hbm>>
      %dma_start3A_29 = arith.constant 128 : i32
      %dma_start3A_30 = arith.constant 0 : i32
      %dma_start3A_31 = tpu.memref_slice %arg4[%dma_start3A_29, %dma_start3A_30] : memref<100000x128xf32, #tpu.memory_space<hbm>> -> memref<128x128xf32, #tpu.memory_space<hbm>>
      tpu.enqueue_dma source(%dma_start3A_31 : memref<128x128xf32, #tpu.memory_space<hbm>>) target(%arg8 : memref<128x128xf32, #tpu.memory_space<vmem>>) target_semaphore(%run_scoped3A : memref<!tpu.dma_semaphore, #tpu.memory_space<semaphore_mem>>)
      %dma_wait3A = arith.constant 128 : i32
      %dma_wait3A_32 = arith.constant 0 : i32
      %dma_wait3A_33 = tpu.memref_slice %arg4[%dma_wait3A, %dma_wait3A_32] : memref<100000x128xf32, #tpu.memory_space<hbm>> -> memref<128x128xf32, #tpu.memory_space<hbm>>
      %dma_wait3A_34 = arith.constant 128 : i32
      %dma_wait3A_35 = arith.constant 0 : i32
      %dma_wait3A_36 = tpu.memref_slice %arg4[%dma_wait3A_34, %dma_wait3A_35] : memref<100000x128xf32, #tpu.memory_space<hbm>> -> memref<128x128xf32, #tpu.memory_space<hbm>>
      tpu.wait_dma2 semaphore(%run_scoped3A : memref<!tpu.dma_semaphore, #tpu.memory_space<semaphore_mem>>) src(%dma_wait3A_36 : memref<128x128xf32, #tpu.memory_space<hbm>>) dst(%arg8 : memref<128x128xf32, #tpu.memory_space<vmem>>)
      tpu.yield
    }) : () -> ()
    "tpu.region"() ({
      %run_scoped3A = tpu.sem_alloc : memref<!tpu.dma_semaphore, #tpu.memory_space<semaphore_mem>>
      %dma_start3A_26 = arith.constant 256 : i32
      %dma_start3A_27 = arith.constant 0 : i32
      %dma_start3A_28 = tpu.memref_slice %arg4[%dma_start3A_26, %dma_start3A_27] : memref<100000x128xf32, #tpu.memory_space<hbm>> -> memref<128x128xf32, #tpu.memory_space<hbm>>
      %dma_start3A_29 = arith.constant 256 : i32
      %dma_start3A_30 = arith.constant 0 : i32
      %dma_start3A_31 = tpu.memref_slice %arg4[%dma_start3A_29, %dma_start3A_30] : memref<100000x128xf32, #tpu.memory_space<hbm>> -> memref<128x128xf32, #tpu.memory_space<hbm>>
      tpu.enqueue_dma source(%dma_start3A_31 : memref<128x128xf32, #tpu.memory_space<hbm>>) target(%arg9 : memref<128x128xf32, #tpu.memory_space<vmem>>) target_semaphore(%run_scoped3A : memref<!tpu.dma_semaphore, #tpu.memory_space<semaphore_mem>>)
      %dma_wait3A = arith.constant 256 : i32
      %dma_wait3A_32 = arith.constant 0 : i32
      %dma_wait3A_33 = tpu.memref_slice %arg4[%dma_wait3A, %dma_wait3A_32] : memref<100000x128xf32, #tpu.memory_space<hbm>> -> memref<128x128xf32, #tpu.memory_space<hbm>>
      %dma_wait3A_34 = arith.constant 256 : i32
      %dma_wait3A_35 = arith.constant 0 : i32
      %dma_wait3A_36 = tpu.memref_slice %arg4[%dma_wait3A_34, %dma_wait3A_35] : memref<100000x128xf32, #tpu.memory_space<hbm>> -> memref<128x128xf32, #tpu.memory_space<hbm>>
      tpu.wait_dma2 semaphore(%run_scoped3A : memref<!tpu.dma_semaphore, #tpu.memory_space<semaphore_mem>>) src(%dma_wait3A_36 : memref<128x128xf32, #tpu.memory_space<hbm>>) dst(%arg9 : memref<128x128xf32, #tpu.memory_space<vmem>>)
      tpu.yield
    }) : () -> ()
    "tpu.region"() ({
      %run_scoped3A = tpu.sem_alloc : memref<!tpu.dma_semaphore, #tpu.memory_space<semaphore_mem>>
      %dma_start3A_26 = arith.constant 384 : i32
      %dma_start3A_27 = arith.constant 0 : i32
      %dma_start3A_28 = tpu.memref_slice %arg4[%dma_start3A_26, %dma_start3A_27] : memref<100000x128xf32, #tpu.memory_space<hbm>> -> memref<128x128xf32, #tpu.memory_space<hbm>>
      %dma_start3A_29 = arith.constant 384 : i32
      %dma_start3A_30 = arith.constant 0 : i32
      %dma_start3A_31 = tpu.memref_slice %arg4[%dma_start3A_29, %dma_start3A_30] : memref<100000x128xf32, #tpu.memory_space<hbm>> -> memref<128x128xf32, #tpu.memory_space<hbm>>
      tpu.enqueue_dma source(%dma_start3A_31 : memref<128x128xf32, #tpu.memory_space<hbm>>) target(%arg10 : memref<128x128xf32, #tpu.memory_space<vmem>>) target_semaphore(%run_scoped3A : memref<!tpu.dma_semaphore, #tpu.memory_space<semaphore_mem>>)
      %dma_wait3A = arith.constant 384 : i32
      %dma_wait3A_32 = arith.constant 0 : i32
      %dma_wait3A_33 = tpu.memref_slice %arg4[%dma_wait3A, %dma_wait3A_32] : memref<100000x128xf32, #tpu.memory_space<hbm>> -> memref<128x128xf32, #tpu.memory_space<hbm>>
      %dma_wait3A_34 = arith.constant 384 : i32
      %dma_wait3A_35 = arith.constant 0 : i32
      %dma_wait3A_36 = tpu.memref_slice %arg4[%dma_wait3A_34, %dma_wait3A_35] : memref<100000x128xf32, #tpu.memory_space<hbm>> -> memref<128x128xf32, #tpu.memory_space<hbm>>
      tpu.wait_dma2 semaphore(%run_scoped3A : memref<!tpu.dma_semaphore, #tpu.memory_space<semaphore_mem>>) src(%dma_wait3A_36 : memref<128x128xf32, #tpu.memory_space<hbm>>) dst(%arg10 : memref<128x128xf32, #tpu.memory_space<vmem>>)
      tpu.yield
    }) : () -> ()
    %add3A_3 = arith.constant 0 : i32
    %add3A_4 = arith.addi %mul3A_2, %add3A_3 : i32
    %dma_start3A = arith.constant 0 : i32
    %dma_start3A_5 = arith.constant 0 : i32
    %dma_start3A_6 = tpu.memref_slice %arg6[%add3A_4, %dma_start3A, %dma_start3A_5] : memref<4096x128x128xf32, #tpu.memory_space<hbm>> -> memref<1x128x128xf32, #tpu.memory_space<hbm>>
    %dma_start3A_7 = tpu.memref_squeeze %dma_start3A_6 : memref<1x128x128xf32, #tpu.memory_space<hbm>> -> memref<128x128xf32, #tpu.memory_space<hbm>>
    %dma_start3A_8 = arith.constant 0 : i32
    %dma_start3A_9 = arith.constant 0 : i32
    %dma_start3A_10 = tpu.memref_slice %arg6[%add3A_4, %dma_start3A_8, %dma_start3A_9] : memref<4096x128x128xf32, #tpu.memory_space<hbm>> -> memref<1x128x128xf32, #tpu.memory_space<hbm>>
    %dma_start3A_11 = tpu.memref_squeeze %dma_start3A_10 : memref<1x128x128xf32, #tpu.memory_space<hbm>> -> memref<128x128xf32, #tpu.memory_space<hbm>>
    tpu.enqueue_dma source(%arg7 : memref<128x128xf32, #tpu.memory_space<vmem>>) target(%dma_start3A_11 : memref<128x128xf32, #tpu.memory_space<hbm>>) target_semaphore(%arg11 : memref<!tpu.dma_semaphore, #tpu.memory_space<semaphore_mem>>)
    %add3A_12 = arith.constant 1 : i32
    %add3A_13 = arith.addi %mul3A_2, %add3A_12 : i32
    %dma_start3A_14 = arith.constant 0 : i32
    %dma_start3A_15 = arith.constant 0 : i32
    %dma_start3A_16 = tpu.memref_slice %arg6[%add3A_13, %dma_start3A_14, %dma_start3A_15] : memref<4096x128x128xf32, #tpu.memory_space<hbm>> -> memref<1x128x128xf32, #tpu.memory_space<hbm>>
    %dma_start3A_17 = tpu.memref_squeeze %dma_start3A_16 : memref<1x128x128xf32, #tpu.memory_space<hbm>> -> memref<128x128xf32, #tpu.memory_space<hbm>>
    %dma_start3A_18 = arith.constant 0 : i32
    %dma_start3A_19 = arith.constant 0 : i32
    %dma_start3A_20 = tpu.memref_slice %arg6[%add3A_13, %dma_start3A_18, %dma_start3A_19] : memref<4096x128x128xf32, #tpu.memory_space<hbm>> -> memref<1x128x128xf32, #tpu.memory_space<hbm>>
    %dma_start3A_21 = tpu.memref_squeeze %dma_start3A_20 : memref<1x128x128xf32, #tpu.memory_space<hbm>> -> memref<128x128xf32, #tpu.memory_space<hbm>>
    tpu.enqueue_dma source(%arg8 : memref<128x128xf32, #tpu.memory_space<vmem>>) target(%dma_start3A_21 : memref<128x128xf32, #tpu.memory_space<hbm>>) target_semaphore(%arg12 : memref<!tpu.dma_semaphore, #tpu.memory_space<semaphore_mem>>)
    %scan3A = arith.constant 0 : i32
    %scan3A_22 = arith.constant 32 : i32
    %scan3A_23 = arith.addi %scan3A, %scan3A_22 : i32
    %scan3A_24 = arith.constant 1 : i32
    scf.for %scan3A_26 = %scan3A to %scan3A_23 step %scan3A_24  : i32 {
      %mul3A_27 = arith.constant 1 : i32
      %mul3A_28 = arith.muli %scan3A_26, %mul3A_27 : i32
      %add3A_29 = arith.constant 0 : i32
      %add3A_30 = arith.addi %add3A_29, %mul3A_28 : i32
      %mul3A_31 = arith.constant 4 : i32
      %mul3A_32 = arith.muli %add3A_30, %mul3A_31 : i32
      %add3A_33 = arith.constant 0 : i32
      %add3A_34 = arith.addi %mul3A_32, %add3A_33 : i32
      %add3A_35 = arith.addi %mul3A_2, %add3A_34 : i32
      %dma_wait3A = arith.constant 0 : i32
      %dma_wait3A_36 = arith.constant 0 : i32
      %dma_wait3A_37 = tpu.memref_slice %arg6[%add3A_35, %dma_wait3A, %dma_wait3A_36] : memref<4096x128x128xf32, #tpu.memory_space<hbm>> -> memref<1x128x128xf32, #tpu.memory_space<hbm>>
      %dma_wait3A_38 = tpu.memref_squeeze %dma_wait3A_37 : memref<1x128x128xf32, #tpu.memory_space<hbm>> -> memref<128x128xf32, #tpu.memory_space<hbm>>
      %dma_wait3A_39 = arith.constant 0 : i32
      %dma_wait3A_40 = arith.constant 0 : i32
      %dma_wait3A_41 = tpu.memref_slice %arg6[%add3A_35, %dma_wait3A_39, %dma_wait3A_40] : memref<4096x128x128xf32, #tpu.memory_space<hbm>> -> memref<1x128x128xf32, #tpu.memory_space<hbm>>
      %dma_wait3A_42 = tpu.memref_squeeze %dma_wait3A_41 : memref<1x128x128xf32, #tpu.memory_space<hbm>> -> memref<128x128xf32, #tpu.memory_space<hbm>>
      tpu.wait_dma2 semaphore(%arg11 : memref<!tpu.dma_semaphore, #tpu.memory_space<semaphore_mem>>) src(%arg7 : memref<128x128xf32, #tpu.memory_space<vmem>>) dst(%dma_wait3A_42 : memref<128x128xf32, #tpu.memory_space<hbm>>)
      %add3A_43 = arith.constant 2 : i32
      %add3A_44 = arith.addi %add3A_34, %add3A_43 : i32
      %lt3A = arith.constant 128 : i32
      %lt3A_45 = arith.cmpi slt, %add3A_44, %lt3A : i32
      %convert_element_type3A = arith.extui %lt3A_45 : i1 to i32
      %cond3A = arith.constant 0 : i32
      %cond3A_46 = arith.cmpi ne, %convert_element_type3A, %cond3A : i32
      scf.if %cond3A_46 {
        %add3A_107 = arith.addi %mul3A_2, %add3A_34 : i32
        %add3A_108 = arith.constant 2 : i32
        %add3A_109 = arith.addi %add3A_107, %add3A_108 : i32
        %dma_start3A_110 = arith.constant 0 : i32
        %dma_start3A_111 = arith.constant 0 : i32
        %dma_start3A_112 = tpu.memref_slice %arg6[%add3A_109, %dma_start3A_110, %dma_start3A_111] : memref<4096x128x128xf32, #tpu.memory_space<hbm>> -> memref<1x128x128xf32, #tpu.memory_space<hbm>>
        %dma_start3A_113 = tpu.memref_squeeze %dma_start3A_112 : memref<1x128x128xf32, #tpu.memory_space<hbm>> -> memref<128x128xf32, #tpu.memory_space<hbm>>
        %dma_start3A_114 = arith.constant 0 : i32
        %dma_start3A_115 = arith.constant 0 : i32
        %dma_start3A_116 = tpu.memref_slice %arg6[%add3A_109, %dma_start3A_114, %dma_start3A_115] : memref<4096x128x128xf32, #tpu.memory_space<hbm>> -> memref<1x128x128xf32, #tpu.memory_space<hbm>>
        %dma_start3A_117 = tpu.memref_squeeze %dma_start3A_116 : memref<1x128x128xf32, #tpu.memory_space<hbm>> -> memref<128x128xf32, #tpu.memory_space<hbm>>
        tpu.enqueue_dma source(%arg9 : memref<128x128xf32, #tpu.memory_space<vmem>>) target(%dma_start3A_117 : memref<128x128xf32, #tpu.memory_space<hbm>>) target_semaphore(%arg13 : memref<!tpu.dma_semaphore, #tpu.memory_space<semaphore_mem>>)
      } else {
      }
      %mul3A_47 = arith.constant 4 : i32
      %mul3A_48 = arith.muli %add3A_30, %mul3A_47 : i32
      %add3A_49 = arith.constant 1 : i32
      %add3A_50 = arith.addi %mul3A_48, %add3A_49 : i32
      %add3A_51 = arith.addi %mul3A_2, %add3A_50 : i32
      %dma_wait3A_52 = arith.constant 0 : i32
      %dma_wait3A_53 = arith.constant 0 : i32
      %dma_wait3A_54 = tpu.memref_slice %arg6[%add3A_51, %dma_wait3A_52, %dma_wait3A_53] : memref<4096x128x128xf32, #tpu.memory_space<hbm>> -> memref<1x128x128xf32, #tpu.memory_space<hbm>>
      %dma_wait3A_55 = tpu.memref_squeeze %dma_wait3A_54 : memref<1x128x128xf32, #tpu.memory_space<hbm>> -> memref<128x128xf32, #tpu.memory_space<hbm>>
      %dma_wait3A_56 = arith.constant 0 : i32
      %dma_wait3A_57 = arith.constant 0 : i32
      %dma_wait3A_58 = tpu.memref_slice %arg6[%add3A_51, %dma_wait3A_56, %dma_wait3A_57] : memref<4096x128x128xf32, #tpu.memory_space<hbm>> -> memref<1x128x128xf32, #tpu.memory_space<hbm>>
      %dma_wait3A_59 = tpu.memref_squeeze %dma_wait3A_58 : memref<1x128x128xf32, #tpu.memory_space<hbm>> -> memref<128x128xf32, #tpu.memory_space<hbm>>
      tpu.wait_dma2 semaphore(%arg12 : memref<!tpu.dma_semaphore, #tpu.memory_space<semaphore_mem>>) src(%arg8 : memref<128x128xf32, #tpu.memory_space<vmem>>) dst(%dma_wait3A_59 : memref<128x128xf32, #tpu.memory_space<hbm>>)
      %add3A_60 = arith.constant 2 : i32
      %add3A_61 = arith.addi %add3A_50, %add3A_60 : i32
      %lt3A_62 = arith.constant 128 : i32
      %lt3A_63 = arith.cmpi slt, %add3A_61, %lt3A_62 : i32
      %convert_element_type3A_64 = arith.extui %lt3A_63 : i1 to i32
      %cond3A_65 = arith.constant 0 : i32
      %cond3A_66 = arith.cmpi ne, %convert_element_type3A_64, %cond3A_65 : i32
      scf.if %cond3A_66 {
        %add3A_107 = arith.addi %mul3A_2, %add3A_50 : i32
        %add3A_108 = arith.constant 2 : i32
        %add3A_109 = arith.addi %add3A_107, %add3A_108 : i32
        %dma_start3A_110 = arith.constant 0 : i32
        %dma_start3A_111 = arith.constant 0 : i32
        %dma_start3A_112 = tpu.memref_slice %arg6[%add3A_109, %dma_start3A_110, %dma_start3A_111] : memref<4096x128x128xf32, #tpu.memory_space<hbm>> -> memref<1x128x128xf32, #tpu.memory_space<hbm>>
        %dma_start3A_113 = tpu.memref_squeeze %dma_start3A_112 : memref<1x128x128xf32, #tpu.memory_space<hbm>> -> memref<128x128xf32, #tpu.memory_space<hbm>>
        %dma_start3A_114 = arith.constant 0 : i32
        %dma_start3A_115 = arith.constant 0 : i32
        %dma_start3A_116 = tpu.memref_slice %arg6[%add3A_109, %dma_start3A_114, %dma_start3A_115] : memref<4096x128x128xf32, #tpu.memory_space<hbm>> -> memref<1x128x128xf32, #tpu.memory_space<hbm>>
        %dma_start3A_117 = tpu.memref_squeeze %dma_start3A_116 : memref<1x128x128xf32, #tpu.memory_space<hbm>> -> memref<128x128xf32, #tpu.memory_space<hbm>>
        tpu.enqueue_dma source(%arg10 : memref<128x128xf32, #tpu.memory_space<vmem>>) target(%dma_start3A_117 : memref<128x128xf32, #tpu.memory_space<hbm>>) target_semaphore(%arg14 : memref<!tpu.dma_semaphore, #tpu.memory_space<semaphore_mem>>)
      } else {
      }
      %mul3A_67 = arith.constant 4 : i32
      %mul3A_68 = arith.muli %add3A_30, %mul3A_67 : i32
      %add3A_69 = arith.constant 2 : i32
      %add3A_70 = arith.addi %mul3A_68, %add3A_69 : i32
      %add3A_71 = arith.addi %mul3A_2, %add3A_70 : i32
      %dma_wait3A_72 = arith.constant 0 : i32
      %dma_wait3A_73 = arith.constant 0 : i32
      %dma_wait3A_74 = tpu.memref_slice %arg6[%add3A_71, %dma_wait3A_72, %dma_wait3A_73] : memref<4096x128x128xf32, #tpu.memory_space<hbm>> -> memref<1x128x128xf32, #tpu.memory_space<hbm>>
      %dma_wait3A_75 = tpu.memref_squeeze %dma_wait3A_74 : memref<1x128x128xf32, #tpu.memory_space<hbm>> -> memref<128x128xf32, #tpu.memory_space<hbm>>
      %dma_wait3A_76 = arith.constant 0 : i32
      %dma_wait3A_77 = arith.constant 0 : i32
      %dma_wait3A_78 = tpu.memref_slice %arg6[%add3A_71, %dma_wait3A_76, %dma_wait3A_77] : memref<4096x128x128xf32, #tpu.memory_space<hbm>> -> memref<1x128x128xf32, #tpu.memory_space<hbm>>
      %dma_wait3A_79 = tpu.memref_squeeze %dma_wait3A_78 : memref<1x128x128xf32, #tpu.memory_space<hbm>> -> memref<128x128xf32, #tpu.memory_space<hbm>>
      tpu.wait_dma2 semaphore(%arg13 : memref<!tpu.dma_semaphore, #tpu.memory_space<semaphore_mem>>) src(%arg9 : memref<128x128xf32, #tpu.memory_space<vmem>>) dst(%dma_wait3A_79 : memref<128x128xf32, #tpu.memory_space<hbm>>)
      %add3A_80 = arith.constant 2 : i32
      %add3A_81 = arith.addi %add3A_70, %add3A_80 : i32
      %lt3A_82 = arith.constant 128 : i32
      %lt3A_83 = arith.cmpi slt, %add3A_81, %lt3A_82 : i32
      %convert_element_type3A_84 = arith.extui %lt3A_83 : i1 to i32
      %cond3A_85 = arith.constant 0 : i32
      %cond3A_86 = arith.cmpi ne, %convert_element_type3A_84, %cond3A_85 : i32
      scf.if %cond3A_86 {
        %add3A_107 = arith.addi %mul3A_2, %add3A_70 : i32
        %add3A_108 = arith.constant 2 : i32
        %add3A_109 = arith.addi %add3A_107, %add3A_108 : i32
        %dma_start3A_110 = arith.constant 0 : i32
        %dma_start3A_111 = arith.constant 0 : i32
        %dma_start3A_112 = tpu.memref_slice %arg6[%add3A_109, %dma_start3A_110, %dma_start3A_111] : memref<4096x128x128xf32, #tpu.memory_space<hbm>> -> memref<1x128x128xf32, #tpu.memory_space<hbm>>
        %dma_start3A_113 = tpu.memref_squeeze %dma_start3A_112 : memref<1x128x128xf32, #tpu.memory_space<hbm>> -> memref<128x128xf32, #tpu.memory_space<hbm>>
        %dma_start3A_114 = arith.constant 0 : i32
        %dma_start3A_115 = arith.constant 0 : i32
        %dma_start3A_116 = tpu.memref_slice %arg6[%add3A_109, %dma_start3A_114, %dma_start3A_115] : memref<4096x128x128xf32, #tpu.memory_space<hbm>> -> memref<1x128x128xf32, #tpu.memory_space<hbm>>
        %dma_start3A_117 = tpu.memref_squeeze %dma_start3A_116 : memref<1x128x128xf32, #tpu.memory_space<hbm>> -> memref<128x128xf32, #tpu.memory_space<hbm>>
        tpu.enqueue_dma source(%arg7 : memref<128x128xf32, #tpu.memory_space<vmem>>) target(%dma_start3A_117 : memref<128x128xf32, #tpu.memory_space<hbm>>) target_semaphore(%arg11 : memref<!tpu.dma_semaphore, #tpu.memory_space<semaphore_mem>>)
      } else {
      }
      %mul3A_87 = arith.constant 4 : i32
      %mul3A_88 = arith.muli %add3A_30, %mul3A_87 : i32
      %add3A_89 = arith.constant 3 : i32
      %add3A_90 = arith.addi %mul3A_88, %add3A_89 : i32
      %add3A_91 = arith.addi %mul3A_2, %add3A_90 : i32
      %dma_wait3A_92 = arith.constant 0 : i32
      %dma_wait3A_93 = arith.constant 0 : i32
      %dma_wait3A_94 = tpu.memref_slice %arg6[%add3A_91, %dma_wait3A_92, %dma_wait3A_93] : memref<4096x128x128xf32, #tpu.memory_space<hbm>> -> memref<1x128x128xf32, #tpu.memory_space<hbm>>
      %dma_wait3A_95 = tpu.memref_squeeze %dma_wait3A_94 : memref<1x128x128xf32, #tpu.memory_space<hbm>> -> memref<128x128xf32, #tpu.memory_space<hbm>>
      %dma_wait3A_96 = arith.constant 0 : i32
      %dma_wait3A_97 = arith.constant 0 : i32
      %dma_wait3A_98 = tpu.memref_slice %arg6[%add3A_91, %dma_wait3A_96, %dma_wait3A_97] : memref<4096x128x128xf32, #tpu.memory_space<hbm>> -> memref<1x128x128xf32, #tpu.memory_space<hbm>>
      %dma_wait3A_99 = tpu.memref_squeeze %dma_wait3A_98 : memref<1x128x128xf32, #tpu.memory_space<hbm>> -> memref<128x128xf32, #tpu.memory_space<hbm>>
      tpu.wait_dma2 semaphore(%arg14 : memref<!tpu.dma_semaphore, #tpu.memory_space<semaphore_mem>>) src(%arg10 : memref<128x128xf32, #tpu.memory_space<vmem>>) dst(%dma_wait3A_99 : memref<128x128xf32, #tpu.memory_space<hbm>>)
      %add3A_100 = arith.constant 2 : i32
      %add3A_101 = arith.addi %add3A_90, %add3A_100 : i32
      %lt3A_102 = arith.constant 128 : i32
      %lt3A_103 = arith.cmpi slt, %add3A_101, %lt3A_102 : i32
      %convert_element_type3A_104 = arith.extui %lt3A_103 : i1 to i32
      %cond3A_105 = arith.constant 0 : i32
      %cond3A_106 = arith.cmpi ne, %convert_element_type3A_104, %cond3A_105 : i32
      scf.if %cond3A_106 {
        %add3A_107 = arith.addi %mul3A_2, %add3A_90 : i32
        %add3A_108 = arith.constant 2 : i32
        %add3A_109 = arith.addi %add3A_107, %add3A_108 : i32
        %dma_start3A_110 = arith.constant 0 : i32
        %dma_start3A_111 = arith.constant 0 : i32
        %dma_start3A_112 = tpu.memref_slice %arg6[%add3A_109, %dma_start3A_110, %dma_start3A_111] : memref<4096x128x128xf32, #tpu.memory_space<hbm>> -> memref<1x128x128xf32, #tpu.memory_space<hbm>>
        %dma_start3A_113 = tpu.memref_squeeze %dma_start3A_112 : memref<1x128x128xf32, #tpu.memory_space<hbm>> -> memref<128x128xf32, #tpu.memory_space<hbm>>
        %dma_start3A_114 = arith.constant 0 : i32
        %dma_start3A_115 = arith.constant 0 : i32
        %dma_start3A_116 = tpu.memref_slice %arg6[%add3A_109, %dma_start3A_114, %dma_start3A_115] : memref<4096x128x128xf32, #tpu.memory_space<hbm>> -> memref<1x128x128xf32, #tpu.memory_space<hbm>>
        %dma_start3A_117 = tpu.memref_squeeze %dma_start3A_116 : memref<1x128x128xf32, #tpu.memory_space<hbm>> -> memref<128x128xf32, #tpu.memory_space<hbm>>
        tpu.enqueue_dma source(%arg8 : memref<128x128xf32, #tpu.memory_space<vmem>>) target(%dma_start3A_117 : memref<128x128xf32, #tpu.memory_space<hbm>>) target_semaphore(%arg12 : memref<!tpu.dma_semaphore, #tpu.memory_space<semaphore_mem>>)
      } else {
      }
    }
    %scan3A_25 = arith.constant 32 : i32
    return
  }
}

</mosaic_0001>

<sc_bundles>
// kernel: kernel.3.cloned.1.call-start
scs
__scs_entry_jumppad:
0x0: {  	(pc) =	sbr.rel $0x88, $3  }
0x1: {  	(tag) =	ssettag $0x0;
	lr =	simm.s32 $0x1  }
0x2: {  	[smem:$0x3F9D] =	sst lr;
	_ =	strace $0xD0000000  }
0x3: {  	_ = 	snop  }
0x4: {  	_ = 	snop  }
0x5: {  	_ = 	snop  }
0x6: {  	_ = 	snop  }
0x7: {  	_ = 	snop  }
__scs_overlays_trampoline_lowered:
0x8: {  	[smem:$0x3FAC] =	sst s0  }
0x9: {  	[smem:$0x3FAD] =	sst s1  }
0xa: {  	[smem:$0x3FAE] =	sst s2  }
0xb: {  	[smem:$0x3FAF] =	sst s3  }
0xc: {  	[smem:$0x3FB0] =	sst s4  }
0xd: {  	[smem:$0x3FB1] =	sst s5  }
0xe: {  	[smem:$0x3FB2] =	sst s6  }
0xf: {  	[smem:$0x3FB3] =	sst s7  }
0x10: {  	[smem:$0x3FB4] =	sst s8  }
0x11: {  	[smem:$0x3FB5] =	sst s9;
	s0 =	simm.s32 @!p0 $0x0  }
0x12: {  	s1 =	sld [smem:$0x3F9B];
	s0 =	simm.s32 @p0 $0x1  }
0x13: {  	[smem:$0x3FB6] =	sst s0;
	s0 =	simm.s32 @!p1 $0x0  }
0x14: {  	s2 =	sld [smem:$0x3F9A];
	s0 =	simm.s32 @p1 $0x1  }
0x15: {  	[smem:$0x3FB7] =	sst s0;
	s0 =	simm.s32 @!p2 $0x0  }
0x16: {  	s3 =	sld [smem:$0x3FDB];
	s0 =	simm.s32 @p2 $0x1  }
0x17: {  	s4 =	simm.s32 $0x1BF5;
	[smem:$0x3FB9] =	sst s0  }
0x18: {  	s0 =	sld [smem:$0x3F9C];
	_ =	swait.ge [sflag:s4], $0x0  }
0x19: {  	s7 =	sld [smem:$0x3F9D]  }
0x1a: {  	s8 =	sadd.s32 $0xFFFFE003, lr  }
0x1b: {  	s9 =	sadd.s32 $0xFFFFFEF7, lr;
	s5 =	simm.s32 $0xFFFFFFFF;
	p2 =	slt.u32 s8, $0xFFFFF086  }
0x1c: {  	p1 =	slt.u32 s9, $0xF7A;
	s5 =	simm.s32 @!p2 $0x0  }
0x1d: {  	s5 =	simm.s32 @p1 $0x1;
	p0 =	seq.s32 s7, s2  }
0x1e: {  	s7 =	smul.u32 @!p0 $0xF7A, s2;
	p2 =	seq.s32 @!p0 s5, $0x0  }
0x1f: {  	s9 =	smul.u32 $0xF7A, s1;
	s8 =	simm.s32 @!p0 $0x1BF5;
	p2 =	por !p2, p0  }
0x20: {  	[sflag:s8] =	ssyncset.s32 @!p0 $0xFFFFF086;
	s6 =	sadd.s32 @!p0 s3, s7;
	s7 =	simm.s32 @!p0 $0x108  }
0x21: {  	s3 =	sadd.s32 s3, s9;
	s6 =	sadd.s32 @!p0 $0x88, s6;
	s7 =	simm.s32 @p2 $0x1082  }
0x22: {  	[simem:s7], [sflag:s8] =	dma.local @!p0 [hbm:s6], $0xF7A  }
0x23: {  	s9 =	sor.u32 $0xD0000000, s2;
	s6 =	simm.s32 $0x108;
	_ =	swait.ge @!p0 [sflag:s8], $0x0  }
0x24: {  	s3 =	sadd.s32 $0x88, s3;
	s6 =	simm.s32 @!p1 $0x1082;
	[sflag:s4] =	ssyncset.s32 $0xFFFFF086  }
0x25: {  	[simem:s6], [sflag:s4] =	dma.local [hbm:s3], $0xF7A  }
0x26: {  	[smem:$0x3F9D] =	sst s1;
	(tag) =	ssettag s2;
	_ =	strace s9  }
0x27: {  	s1 =	sld [smem:$0x3FAD]  }
0x28: {  	s2 =	sld [smem:$0x3FAE]  }
0x29: {  	s4 =	sld [smem:$0x3FB0]  }
0x2a: {  	p0 =	seq.s32 s5, $0x0;
	s5 =	sld [smem:$0x3FB1]  }
0x2b: {  	s6 =	sld [smem:$0x3FB2]  }
0x2c: {  	s7 =	sld [smem:$0x3FB3]  }
0x2d: {  	s3 =	simm.s32 $0x108;
	s8 =	sld [smem:$0x3FB4]  }
0x2e: {  	s3 =	simm.s32 @!p0 $0x1082;
	s9 =	sld [smem:$0x3FB5]  }
0x2f: {  	lr =	sadd.s32 s0, s3;
	s0 =	sld [smem:$0x3FAC]  }
0x30: {  	s3 =	sld [smem:$0x3FAF]  }
0x31: {  	[smem:$0x3FB8] =	sst s10  }
0x32: {  	s10 =	sld [smem:$0x3FB6];
	_ =	sdelay $0x3  }
0x33: {  	p0 =	seq.s32 s10, $0x1;
	s10 =	sld [smem:$0x3FB8];
	_ =	sdelay $0x3  }
0x34: {  	[smem:$0x3FB8] =	sst s10  }
0x35: {  	s10 =	sld [smem:$0x3FB7];
	_ =	sdelay $0x3  }
0x36: {  	p1 =	seq.s32 s10, $0x1;
	s10 =	sld [smem:$0x3FB8];
	_ =	sdelay $0x3  }
0x37: {  	[smem:$0x3FB8] =	sst s10  }
0x38: {  	s10 =	sld [smem:$0x3FB9]  }
0x39: {  	_ = 	snop;
	(pc) =	sbr.ind lr, $3  }
0x3a: {  	_ = 	snop  }
0x3b: {  	_ = 	snop  }
0x3c: {  	p2 =	seq.s32 s10, $0x1;
	s10 =	sld [smem:$0x3FB8]  }
0x3d: {  	_ =	shalt  }
0x3e: {  	_ =	shalt  }
0x3f: {  	_ =	shalt  }
0x40: {  	_ =	shalt  }
0x41: {  	_ =	shalt  }
0x42: {  	_ =	shalt  }
0x43: {  	_ =	shalt  }
0x44: {  	_ =	shalt  }
0x45: {  	_ =	shalt  }
0x46: {  	_ =	shalt  }
0x47: {  	_ =	shalt  }
0x48: {  	_ =	shalt  }
0x49: {  	_ =	shalt  }
0x4a: {  	_ =	shalt  }
0x4b: {  	_ =	shalt  }
0x4c: {  	_ =	shalt  }
0x4d: {  	_ =	shalt  }
0x4e: {  	_ =	shalt  }
0x4f: {  	_ =	shalt  }
0x50: {  	_ =	shalt  }
0x51: {  	_ =	shalt  }
0x52: {  	_ =	shalt  }
0x53: {  	_ =	shalt  }
0x54: {  	_ =	shalt  }
0x55: {  	_ =	shalt  }
0x56: {  	_ =	shalt  }
0x57: {  	_ =	shalt  }
0x58: {  	_ =	shalt  }
0x59: {  	_ =	shalt  }
0x5a: {  	_ =	shalt  }
0x5b: {  	_ =	shalt  }
0x5c: {  	_ =	shalt  }
0x5d: {  	_ =	shalt  }
0x5e: {  	_ =	shalt  }
0x5f: {  	_ =	shalt  }
0x60: {  	_ =	shalt  }
0x61: {  	_ =	shalt  }
0x62: {  	_ =	shalt  }
0x63: {  	_ =	shalt  }
0x64: {  	_ =	shalt  }
0x65: {  	_ =	shalt  }
0x66: {  	_ =	shalt  }
0x67: {  	_ =	shalt  }
0x68: {  	_ =	shalt  }
0x69: {  	_ =	shalt  }
0x6a: {  	_ =	shalt  }
0x6b: {  	_ =	shalt  }
0x6c: {  	_ =	shalt  }
0x6d: {  	_ =	shalt  }
0x6e: {  	_ =	shalt  }
0x6f: {  	_ =	shalt  }
0x70: {  	_ =	shalt  }
0x71: {  	_ =	shalt  }
0x72: {  	_ =	shalt  }
0x73: {  	_ =	shalt  }
0x74: {  	_ =	shalt  }
0x75: {  	_ =	shalt  }
0x76: {  	_ =	shalt  }
0x77: {  	_ =	shalt  }
0x78: {  	_ =	shalt  }
0x79: {  	_ =	shalt  }
0x7a: {  	_ =	shalt  }
0x7b: {  	_ =	shalt  }
0x7c: {  	_ =	shalt  }
0x7d: {  	_ =	shalt  }
0x7e: {  	_ =	shalt  }
0x7f: {  	_ =	shalt  }
0x80: {  	_ =	shalt  }
0x81: {  	_ =	shalt  }
0x82: {  	_ =	shalt  }
0x83: {  	_ =	shalt  }
0x84: {  	_ =	shalt  }
0x85: {  	_ =	shalt  }
0x86: {  	_ =	shalt  }
0x87: {  	_ =	shalt  }
.Lfunc_end0:
.L_simem_size_0:
called_computation_lowered:
.L_overlay_start_0:
0x88: {  	s2 =	sld [smem:$0x3FD9]  }
0x89: {  	s3 =	sld [smem:$0x3FFE];
	_ =	sdelay $0x1  }
0x8a: {  	s1 =	srdreg.scid  }
0x8b: {  	s0 =	sand.u32 $0x1, s1  }
0x8c: {  	s18 =	sshll.u32 s0, $0xA;
	s2 =	sadd.s32 s3, s2  }
0x8d: {  	s2 =	sadd.s32 s2, s18  }
0x8e: {  	[smem:$0x3FC4] =	sst s2  }
0x8f: {  	_ = 	snop  }
0x90: {  	s2 =	sld [smem:$0x3FC7]  }
0x91: {  	s19 =	sld [smem:$0x3FD0];
	(tm) =	ssettm $0x1  }
0x92: {  	s4 =	sld [smem:$0x3FFB];
	_ =	sdelay $0x3  }
0x93: {  	_ =	strace s4  }
0x94: {  	s4 =	sld [smem:$0x3FFC];
	_ =	sdelay $0x3  }
0x95: {  	_ =	strace s4  }
0x96: {  	s4 =	sld [smem:$0x3FFD];
	_ =	sdelay $0x3  }
0x97: {  	_ =	strace s4  }
0x98: {  	_ =	strace $0x8FFFFFFF  }
0x99: {  	s20 =	sld [smem:$0x3FDB];
	_ =	sdelay $0x1  }
0x9a: {  	s5 =	simm.s32 $_scs_section_size  }
0x9b: {  	s6 =	simm.s32 $_size__tile_overlayer_lowered;
	s7 =	simm.s32 $_tile_overlayer_lowered  }
0x9c: {  	s23 =	simm.s32 $0x1BFF;
	s22 =	sshll.u32 s7, $0x1;
	s4 =	sadd.s32 s5, s20  }
0x9d: {  	s8 =	simm.s32 $0x0;
	s21 =	sshll.u32 s6, $0x1;
	s6 =	sadd.s32 s22, s4  }
0x9e: {  	[timem:s8], [sflag:s23] =	dma.local [hbm:s6], s21  }
0x9f: {  	_ =	swait.ge [sflag:s23], s21  }
0xa0: {  	s5 =	ssub.s32 $0x0, s21;
	[sflag:s23] =	ssyncset.done $0x0  }
0xa1: {  	[sflag:s23] =	ssyncadd.s32 s5;
	_ =	sdelay $0x1  }
0xa2: {  	s24 =	simm.s32 $0x1B8B  }
0xa3: {  	_ =	swait.ge [sflag:s24], $0x1  }
0xa4: {  	[sflag:s24] =	ssyncset.done $0x0  }
0xa5: {  	s25 =	simm.s32 $0x1B8E;
	[sflag:s24] =	ssyncadd.s32 $0xFFFFFFFF  }
0xa6: {  	s26 =	simm.s32 $execute0_lowered;
	[smem:$0x3FD2] =	sst s25  }
0xa7: {  	s5 =	sshll.u32 s26, $0x1;
	_ =	strace $0x80000046;
	[dreg:$0x1] =	wrdreg $0xFFFFFFFF  }
0xa8: {  	s28 =	simm.s32 $_size_execute0_lowered;
	s4 =	sadd.s32 s4, s5;
	[dreg:$0x0] =	wrdreg $0x0  }
0xa9: {  	s5 =	sshll.u32 s28, $0x1;
	[dreg:$0x2] =	wrdreg s4  }
0xaa: {  	[dreg:$0x3] =	wrdreg s5  }
0xab: {  	[dreg:$0x4] =	wrdreg $0xC0  }
0xac: {  	_ =	task [dreg:s8], $0x5FFFF  }
0xad: {  	[dreg:$0x1] =	wrdreg $0xFFFFFFFF  }
0xae: {  	[dreg:$0x0] =	wrdreg $0x60  }
0xaf: {  	[dreg:$0x2] =	wrdreg s2  }
0xb0: {  	[dreg:$0x3] =	wrdreg s19  }
0xb1: {  	[dreg:$0x4] =	wrdreg $0x9  }
0xb2: {  	_ =	task.clear_ibuf [dreg:s8], $0x5FFFF;
	_ =	strace $0x90000046  }
0xb3: {  	s29 =	simm.s32 $0x9;
	_ =	strace $0x80000048  }
0xb4: {  	_ =	swait.ge [sflag:s29], $0x1  }
0xb5: {  	[sflag:s29] =	ssyncadd.s32 $0xFFFFFFFF  }
0xb6: {  	_ =	strace $0x90000048  }
0xb7: {  	_ =	sfence  }
0xb8: {  	s30 =	sld [smem:$0x0];
	_ =	sdelay $0x2  }
0xb9: {  	s31 =	sshll.u32 s1, $0xD;
	s1 =	sshrl.u32 s1, $0x2  }
0xba: {  	s3 =	sand.u32 $0x4000, s31;
	s1 =	sadd.s32 s1, s30  }
0xbb: {  	s0 =	sor.u32 s3, s0;
	s1 =	sshll.u32 s1, $0x11  }
0xbc: {  	s0 =	sor.u32 s1, s0  }
0xbd: {  	s0 =	sadd.s32 $0x8F2B, s0  }
0xbe: {  	[sflag:s0] =	ssyncadd.remote.s32 $0x1  }
0xbf: {  	_ =	sfence.sel $0xFFFF  }
0xc0: {  	[dreg:$0x0] =	wrdreg $0xFFFFFFFF;
	(pc) =	sbr.abs _section_cstart, $3  }
0xc1: {  	[dreg:$0x1] =	wrdreg $0xFFFFFFFF  }
0xc2: {  	_ =	task.clear_ibuf [dreg:s8], $0x2FFFF;
	_ =	strace $0x9FFFFFFF  }
0xc3: {  	(tm) =	ssettm $0x7FFFFFFF  }
tec
execute0_lowered:
.L_overlay_start_1:
0x0: {  	(tag) =	ssettag $0x1  }
0x1: {  	s1 =	rddreg [dreg:$0x0]  }
0x2: {  	s10 =	rddreg [dreg:$0x1]  }
0x3: {  	s0 =	rddreg [dreg:$0x2];
	s2 =	simm.s32 $0x0  }
0x4: {  	s3 =	srdreg.scid;
	s14 =	simm.s32 $0x4000;
	s15 =	simm.s32 $0x8000  }
0x5: {  	s16 =	simm.s32 $0xC000;
	s17 =	simm.s32 $0x1;
	s18 =	simm.s32 $0x2  }
0x6: {  	s19 =	simm.s32 $0x3;
	s20 =	simm.s32 $0x4;
	s21 =	simm.s32 $0x0  }
0x7: {  	[smem:$0x7FF] =	sst s2;
	s4 =	sand.u32 $0x1, s3;
	s3 =	stileid.u32  }
0x8: {  	_ =	strace $0x80000047;
	s5 =	ssub.s32 $0x2, s4;
	s11 =	sshll.u32 s3, $0x13  }
0x9: {  	s12 =	sshll.u32 s4, $0x12;
	s4 =	sadd.s32 $0x800, s1;
	s6 =	sshrl.u32 s5, $0x1  }
0xa: {  	s7 =	sor.u32 s12, s11;
	s13 =	sadd.s32 s11, s10;
	s9 =	ssub.s32 s5, s6  }
0xb: {  	s5 =	sadd.s32 $0x1000, s1;
	s6 =	sadd.s32 $0x1800, s1;
	s7 =	sadd.s32 s10, s7  }
0xc: {  	s12 =	sadd.s32 s12, s13;
	s13 =	simm.s32 $0x5;
	s8 =	sadd.s32 $0x800, s7  }
0xd: {  	s9 =	smax.u32 s9, $0x1;
	s10 =	sadd.s32 $0x3F000, s7;
	s11 =	sadd.s32 $0x3F800, s7  }
.LBB2_1:
0xe: {  	[tilespmem:s2], [sflag:$0x5] =	stream.linear.gather [hbm4b:s1+s2], $0x4000, $0x38;
	[tilespmem:$0x10000] =	vst v63  }
0xf: {  	_ =	swait.ge [sflag:s13], $0x4000  }
0x10: {  	[sflag:s13] =	ssyncset.done $0x0  }
0x11: {  	[sflag:s13] =	ssyncadd.s32 $0xFFFFC000  }
0x12: {  	[tilespmem:s14], [sflag:$0x5] =	stream.linear.gather [hbm4b:s4+s2], $0x4000, $0x38;
	[tilespmem:$0x10000] =	vst v63  }
0x13: {  	_ =	swait.ge [sflag:s13], $0x4000  }
0x14: {  	[sflag:s13] =	ssyncset.done $0x0  }
0x15: {  	[sflag:s13] =	ssyncadd.s32 $0xFFFFC000  }
0x16: {  	[tilespmem:s15], [sflag:$0x5] =	stream.linear.gather [hbm4b:s5+s2], $0x4000, $0x38;
	[tilespmem:$0x10000] =	vst v63  }
0x17: {  	_ =	swait.ge [sflag:s13], $0x4000  }
0x18: {  	[sflag:s13] =	ssyncset.done $0x0  }
0x19: {  	[sflag:s13] =	ssyncadd.s32 $0xFFFFC000  }
0x1a: {  	[tilespmem:s16], [sflag:$0x5] =	stream.linear.gather [hbm4b:s6+s2], $0x4000, $0x38;
	[tilespmem:$0x10000] =	vst v63  }
0x1b: {  	_ =	swait.ge [sflag:s13], $0x4000  }
0x1c: {  	[sflag:s13] =	ssyncset.done $0x0  }
0x1d: {  	[sflag:s13] =	ssyncadd.s32 $0xFFFFC000  }
0x1e: {  	[hbm4b:s7+s2] =	stream.linear.scatter [tilespmem:s2], [sflag:$0x1], $0x4000, $0x38;
	[tilespmem:$0x10000] =	vst v63  }
0x1f: {  	_ = 	snop  }
0x20: {  	[hbm4b:s8+s2] =	stream.linear.scatter [tilespmem:s14], [sflag:$0x2], $0x4000, $0x38;
	[tilespmem:$0x10000] =	vst v63  }
0x21: {  	_ =	swait.ge [sflag:s17], $0x4000  }
0x22: {  	s23 =	sadd.s32 $0x0, s12;
	[sflag:s17] =	ssyncset.done $0x0  }
0x23: {  	s22 =	sadd.s32 $0x1000, s23;
	[sflag:s17] =	ssyncadd.s32 $0xFFFFC000  }
0x24: {  	[hbm4b:s22+s2] =	stream.linear.scatter [tilespmem:s15], [sflag:$0x3], $0x4000, $0x38;
	[tilespmem:$0x10000] =	vst v63  }
0x25: {  	_ =	swait.ge [sflag:s18], $0x4000  }
0x26: {  	[sflag:s18] =	ssyncset.done $0x0  }
0x27: {  	s30 =	sadd.s32 $0x1800, s23;
	[sflag:s18] =	ssyncadd.s32 $0xFFFFC000  }
0x28: {  	[hbm4b:s30+s2] =	stream.linear.scatter [tilespmem:s16], [sflag:$0x4], $0x4000, $0x38;
	[tilespmem:$0x10000] =	vst v63  }
0x29: {  	_ =	swait.ge [sflag:s19], $0x4000  }
0x2a: {  	[sflag:s19] =	ssyncset.done $0x0  }
0x2b: {  	s31 =	sadd.s32 $0x2000, s23;
	[sflag:s19] =	ssyncadd.s32 $0xFFFFC000  }
0x2c: {  	[hbm4b:s31+s2] =	stream.linear.scatter [tilespmem:s2], [sflag:$0x1], $0x4000, $0x38;
	[tilespmem:$0x10000] =	vst v63  }
0x2d: {  	_ =	swait.ge [sflag:s20], $0x4000  }
0x2e: {  	[sflag:s20] =	ssyncset.done $0x0  }
0x2f: {  	s23 =	sadd.s32 $0x2800, s23;
	s22 =	simm.s32 $0x2000;
	[sflag:s20] =	ssyncadd.s32 $0xFFFFC000  }
.LBB2_2:
0x30: {  	[hbm4b:s23+s2] =	stream.linear.scatter [tilespmem:s14], [sflag:$0x2], $0x4000, $0x38;
	[tilespmem:$0x10000] =	vst v63  }
0x31: {  	s23 =	smov.u32 s22  }
0x32: {  	p0 =	sne.s32 s22, $0x3C000;
	s22 =	sadd.s32 $0x2000, s22;
	_ =	swait.ge [sflag:s17], $0x4000  }
0x33: {  	s23 =	sadd.s32 s23, s12;
	[sflag:s17] =	ssyncset.done $0x0  }
0x34: {  	s24 =	sadd.s32 $0x1000, s23;
	[sflag:s17] =	ssyncadd.s32 $0xFFFFC000  }
0x35: {  	[hbm4b:s24+s2] =	stream.linear.scatter [tilespmem:s15], [sflag:$0x3], $0x4000, $0x38;
	[tilespmem:$0x10000] =	vst v63  }
0x36: {  	_ =	swait.ge [sflag:s18], $0x4000  }
0x37: {  	[sflag:s18] =	ssyncset.done $0x0  }
0x38: {  	s24 =	sadd.s32 $0x1800, s23;
	[sflag:s18] =	ssyncadd.s32 $0xFFFFC000  }
0x39: {  	[hbm4b:s24+s2] =	stream.linear.scatter [tilespmem:s16], [sflag:$0x4], $0x4000, $0x38;
	[tilespmem:$0x10000] =	vst v63  }
0x3a: {  	_ =	swait.ge [sflag:s19], $0x4000  }
0x3b: {  	[sflag:s19] =	ssyncset.done $0x0  }
.Ltmp0:
0x3c: {  	s24 =	sadd.s32 $0x2000, s23;
	[sflag:s19] =	ssyncadd.s32 $0xFFFFC000;
	(pc) =	sbr.rel @p0 .LBB2_2-.Ltmp0, $4  }
0x3d: {  	[hbm4b:s24+s2] =	stream.linear.scatter [tilespmem:s2], [sflag:$0x1], $0x4000, $0x38;
	[tilespmem:$0x10000] =	vst v63  }
0x3e: {  	_ =	swait.ge [sflag:s20], $0x4000  }
0x3f: {  	[sflag:s20] =	ssyncset.done $0x0  }
0x40: {  	s23 =	sadd.s32 $0x2800, s23;
	[sflag:s20] =	ssyncadd.s32 $0xFFFFC000  }
0x41: {  	[hbm4b:s23+s2] =	stream.linear.scatter [tilespmem:s14], [sflag:$0x2], $0x4000, $0x38;
	[tilespmem:$0x10000] =	vst v63  }
0x42: {  	_ =	swait.ge [sflag:s17], $0x4000  }
0x43: {  	[sflag:s17] =	ssyncset.done $0x0  }
0x44: {  	[sflag:s17] =	ssyncadd.s32 $0xFFFFC000  }
0x45: {  	[hbm4b:s10+s2] =	stream.linear.scatter [tilespmem:s15], [sflag:$0x3], $0x4000, $0x38;
	[tilespmem:$0x10000] =	vst v63  }
0x46: {  	_ =	swait.ge [sflag:s18], $0x4000  }
0x47: {  	[sflag:s18] =	ssyncset.done $0x0  }
0x48: {  	s21 =	sadd.s32 $0x1, s21;
	[sflag:s18] =	ssyncadd.s32 $0xFFFFC000  }
0x49: {  	[hbm4b:s11+s2] =	stream.linear.scatter [tilespmem:s16], [sflag:$0x4], $0x4000, $0x38;
	[tilespmem:$0x10000] =	vst v63  }
0x4a: {  	p0 =	sne.s32 s21, s9;
	_ =	swait.ge [sflag:s19], $0x4000  }
.Ltmp1:
0x4b: {  	[sflag:s19] =	ssyncset.done $0x0;
	(pc) =	sbr.rel @p0 .LBB2_1-.Ltmp1, $4  }
0x4c: {  	[sflag:s19] =	ssyncadd.s32 $0xFFFFC000  }
0x4d: {  	_ =	swait.ge [sflag:s20], $0x4000  }
0x4e: {  	[sflag:s20] =	ssyncset.done $0x0  }
0x4f: {  	[sflag:s20] =	ssyncadd.s32 $0xFFFFC000  }
0x50: {  	_ =	sfence.sel $0x180000  }
0x51: {  	[bflag:$0x0] =	sbarrier.arrive $0xFFFF  }
0x52: {  	p0 =	sne.s32 s3, $0x0;
	_ =	strace $0x90000047  }
0x53: {  	s0 =	sadd.s32 @!p0 $0x100000, s0;
	[bflag:$0x2] =	sbarrier.arrive $0xFFFF  }
0x54: {  	[sflag:s0] =	ssyncadd.tile.s32 @!p0 $0x1;
	_ =	shalt  }
.Lfunc_end2:
_tile_overlayer_lowered:
.L_overlay_start_2:
0x55: {  	(tag) =	ssettag $0x2  }
0x56: {  	s0 =	rddreg [dreg:$0x0];
	s2 =	stileid.u32  }
0x57: {  	s1 =	rddreg [dreg:$0x1];
	p0 =	sne.s32 s2, $0x0  }
0x58: {  	s3 =	rddreg [dreg:$0x2];
	[bflag:$0x3] =	sbarrier.arrive $0xFFFF;
	s2 =	simm.s32 @!p0 $0x1C05  }
0x59: {  	[timem:s3], [sflag:s2] =	dma.local @!p0 [hbm:s0], s1  }
0x5a: {  	s0 =	simm.s32 @!p0 $0x5  }
0x5b: {  	_ =	swait.ge @!p0 [sflag:s0], s1  }
0x5c: {  	s1 =	ssub.s32 @!p0 $0x0, s1;
	[sflag:s0] =	ssyncset.done @!p0 $0x0  }
0x5d: {  	[sflag:s0] =	ssyncadd.s32 @!p0 s1  }
0x5e: {  	[bflag:$0x3] =	sbarrier.arrive $0xFFFF  }
0x5f: {  	_ =	shalt  }

</sc_bundles>
